<compile_context>
chip_gen: v7x
topology: tpu7x:2x2x1
jax: 0.10.2.dev20260603
libtpu: 0.0.44.dev20260713+nightly
codegen_flags: <defaults>
</compile_context>

<pallas_src>
import functools

import jax
import jax.numpy as jnp
from jax import lax
from jax.experimental import pallas as pl
from jax.experimental.pallas import tpu as pltpu
from jax.experimental.pallas import tpu_sc as plsc

BATCH = 10000
DIM = 512
NW = 32
GROUPS = BATCH // 8
BASE_G = GROUPS // NW
EXTRA = GROUPS - BASE_G * NW
SPAN_ROWS = (BASE_G + 1) * 8
CHUNK = 64
NCHUNK = SPAN_ROWS // CHUNK
NBUF = 3


def _sc_copy(x_hbm, o_hbm, buf, sem_in, sem_out):
    c = lax.axis_index("c")
    s = lax.axis_index("s")
    wid = s * 2 + c
    start = 8 * (wid * BASE_G + jnp.minimum(wid, EXTRA))
    start = jnp.minimum(start, BATCH - SPAN_ROWS)

    def in_copy(j):
        return pltpu.make_async_copy(
            x_hbm.at[pl.ds(start + j * CHUNK, CHUNK), :],
            buf.at[j % NBUF],
            sem_in.at[j % NBUF],
        )

    def out_copy(j):
        return pltpu.make_async_copy(
            buf.at[j % NBUF],
            o_hbm.at[pl.ds(start + j * CHUNK, CHUNK), :],
            sem_out.at[j % NBUF],
        )

    for j in range(min(NBUF, NCHUNK)):
        in_copy(j).start()
    for j in range(NCHUNK):
        in_copy(j).wait()
        out_copy(j).start()
        if j + NBUF < NCHUNK:
            out_copy(j).wait()
            in_copy(j + NBUF).start()
    for j in range(max(NCHUNK - NBUF, 0), NCHUNK):
        out_copy(j).wait()


def kernel(x, ind, mask, sampled, embed):
    del ind, mask, sampled, embed
    mesh = plsc.VectorSubcoreMesh(core_axis_name="c", subcore_axis_name="s")
    k = functools.partial(
        pl.kernel,
        mesh=mesh,
        out_type=jax.ShapeDtypeStruct((BATCH, DIM), jnp.float32),
        scratch_types=[
            pltpu.VMEM((NBUF, CHUNK, DIM), jnp.float32),
            pltpu.SemaphoreType.DMA((NBUF,)),
            pltpu.SemaphoreType.DMA((NBUF,)),
        ],
    )(_sc_copy)
    return k(x)

# --- scband reference (transcript-rebuilt; emitter-appended) ---
"""Pipeline reference for scband-dummy-residual-vq-45148696216828 (READ-ONLY COPY).

The authoritative reference and input builder live on the scoring server;
editing this copy changes nothing except your own understanding.
"""

import jax, jax.numpy as jnp
import numpy as np

CODEBOOK_SIZE = 16 * 1024
DIM = 512
BATCH = 10000


def setup_inputs(seed: int = 0) -> dict:
    key = jax.random.key(seed)
    k1, k2, k3, k4 = jax.random.split(key, 4)
    x = jax.random.normal(k1, (BATCH, DIM), dtype=jnp.float32)
    ind = jax.random.randint(k2, (BATCH,), 0, CODEBOOK_SIZE, dtype=jnp.int64)
    mask = jnp.ones((BATCH,), dtype=bool)
    sampled = jax.random.normal(k3, (BATCH, DIM), dtype=jnp.float32)
    # learned parameter: embedding table, init uniform(-1, 1) like the torch module
    embed = jax.random.uniform(k4, (CODEBOOK_SIZE, DIM), dtype=jnp.float32, minval=-1.0, maxval=1.0)
    return {"x": x, "ind": ind, "mask": mask, "sampled": sampled, "embed": embed}


def reference(x, ind, mask, sampled, embed):
    # Faithful translation of DummyResidualVQ.forward + DummyCodebook.replace.
    # In torch, `self.embed.weight.data[ind][mask] = sampled` first performs an
    # advanced-indexing gather (which returns a COPY), then writes into that copy.
    # The original embedding table is therefore NOT modified; the write is discarded.
    # We reproduce the gather + masked overwrite on the copy for fidelity, then
    # return x exactly as the torch forward does.
    # (The stochastic `mask = mask[:-1]` branch is data-independent RNG noise; we
    # take the deterministic full-mask path so shapes are static under jit.)
    gathered = jnp.take(embed, ind, axis=0)              # weight.data[ind] -> copy
    _updated_copy = jnp.where(mask[:, None], sampled, gathered)  # copy[mask] = sampled
    del _updated_copy  # write lands on the copy; original table unchanged
    return x

if __name__ == "__main__":
    import jax
    _d = setup_inputs()
    print(jax.jit(kernel)(*tuple(_d.values())))

</pallas_src>

<mosaic_0001>
#map = affine_map<(d0, d1) -> (0, 0)>
module attributes {stable_mosaic.version = 14 : i64} {
  func.func @_sc_copy(%arg0: i32, %arg1: i32, %arg2: memref<10000x512xf32, #tpu.memory_space<hbm>>, %arg3: memref<10000x512xf32, #tpu.memory_space<hbm>>, %arg4: memref<3x64x512xf32, #tpu.memory_space<vmem>>, %arg5: memref<3x!tpu.dma_semaphore, #tpu.memory_space<semaphore_mem>>, %arg6: memref<3x!tpu.dma_semaphore, #tpu.memory_space<semaphore_mem>>) attributes {dimension_semantics = [#tpu.dimension_semantics<core_parallel>, #tpu.dimension_semantics<subcore_parallel>], iteration_bounds = array<i64: 2, 16>, scalar_prefetch = 0 : i64, scratch_operands = 3 : i64, tpu.core_type = #tpu.core_type<sc_vector_subcore>, window_params = [{transform_indices = #map}, {transform_indices = #map}]} {
    %mul3A = arith.constant 2 : i32
    %mul3A_0 = arith.muli %arg1, %mul3A : i32
    %add3A = arith.addi %mul3A_0, %arg0 : i32
    %mul3A_1 = arith.constant 39 : i32
    %mul3A_2 = arith.muli %add3A, %mul3A_1 : i32
    %min3A = arith.constant 2 : i32
    %min3A_3 = arith.minsi %add3A, %min3A : i32
    %add3A_4 = arith.addi %mul3A_2, %min3A_3 : i32
    %mul3A_5 = arith.constant 8 : i32
    %mul3A_6 = arith.muli %mul3A_5, %add3A_4 : i32
    %min3A_7 = arith.constant 9680 : i32
    %min3A_8 = arith.minsi %mul3A_6, %min3A_7 : i32
    %add3A_9 = arith.constant 0 : i32
    %add3A_10 = arith.addi %min3A_8, %add3A_9 : i32
    %dma_start3A = arith.constant 0 : i32
    %dma_start3A_11 = arith.constant 0 : i32
    %dma_start3A_12 = arith.constant 0 : i32
    %dma_start3A_13 = arith.constant 0 : i32
    %dma_start3A_14 = tpu.memref_slice %arg4[%dma_start3A, %dma_start3A_12, %dma_start3A_13] : memref<3x64x512xf32, #tpu.memory_space<vmem>> -> memref<1x64x512xf32, #tpu.memory_space<vmem>>
    %dma_start3A_15 = tpu.memref_squeeze %dma_start3A_14 : memref<1x64x512xf32, #tpu.memory_space<vmem>> -> memref<64x512xf32, #tpu.memory_space<vmem>>
    %dma_start3A_16 = arith.constant 0 : i32
    %dma_start3A_17 = tpu.memref_slice %arg2[%add3A_10, %dma_start3A_16] : memref<10000x512xf32, #tpu.memory_space<hbm>> -> memref<64x512xf32, #tpu.memory_space<hbm>>
    %dma_start3A_18 = tpu.memref_slice %arg5[%dma_start3A_11] : memref<3x!tpu.dma_semaphore, #tpu.memory_space<semaphore_mem>> -> memref<1x!tpu.dma_semaphore, #tpu.memory_space<semaphore_mem>>
    %dma_start3A_19 = tpu.memref_squeeze %dma_start3A_18 : memref<1x!tpu.dma_semaphore, #tpu.memory_space<semaphore_mem>> -> memref<!tpu.dma_semaphore, #tpu.memory_space<semaphore_mem>>
    %dma_start3A_20 = arith.constant 0 : i32
    %dma_start3A_21 = arith.constant 0 : i32
    %dma_start3A_22 = tpu.memref_slice %arg4[%dma_start3A, %dma_start3A_20, %dma_start3A_21] : memref<3x64x512xf32, #tpu.memory_space<vmem>> -> memref<1x64x512xf32, #tpu.memory_space<vmem>>
    %dma_start3A_23 = tpu.memref_squeeze %dma_start3A_22 : memref<1x64x512xf32, #tpu.memory_space<vmem>> -> memref<64x512xf32, #tpu.memory_space<vmem>>
    %dma_start3A_24 = arith.constant 0 : i32
    %dma_start3A_25 = tpu.memref_slice %arg2[%add3A_10, %dma_start3A_24] : memref<10000x512xf32, #tpu.memory_space<hbm>> -> memref<64x512xf32, #tpu.memory_space<hbm>>
    tpu.enqueue_dma source(%dma_start3A_25 : memref<64x512xf32, #tpu.memory_space<hbm>>) target(%dma_start3A_23 : memref<64x512xf32, #tpu.memory_space<vmem>>) target_semaphore(%dma_start3A_19 : memref<!tpu.dma_semaphore, #tpu.memory_space<semaphore_mem>>)
    %add3A_26 = arith.constant 64 : i32
    %add3A_27 = arith.addi %min3A_8, %add3A_26 : i32
    %dma_start3A_28 = arith.constant 1 : i32
    %dma_start3A_29 = arith.constant 1 : i32
    %dma_start3A_30 = arith.constant 0 : i32
    %dma_start3A_31 = arith.constant 0 : i32
    %dma_start3A_32 = tpu.memref_slice %arg4[%dma_start3A_28, %dma_start3A_30, %dma_start3A_31] : memref<3x64x512xf32, #tpu.memory_space<vmem>> -> memref<1x64x512xf32, #tpu.memory_space<vmem>>
    %dma_start3A_33 = tpu.memref_squeeze %dma_start3A_32 : memref<1x64x512xf32, #tpu.memory_space<vmem>> -> memref<64x512xf32, #tpu.memory_space<vmem>>
    %dma_start3A_34 = arith.constant 0 : i32
    %dma_start3A_35 = tpu.memref_slice %arg2[%add3A_27, %dma_start3A_34] : memref<10000x512xf32, #tpu.memory_space<hbm>> -> memref<64x512xf32, #tpu.memory_space<hbm>>
    %dma_start3A_36 = tpu.memref_slice %arg5[%dma_start3A_29] : memref<3x!tpu.dma_semaphore, #tpu.memory_space<semaphore_mem>> -> memref<1x!tpu.dma_semaphore, #tpu.memory_space<semaphore_mem>>
    %dma_start3A_37 = tpu.memref_squeeze %dma_start3A_36 : memref<1x!tpu.dma_semaphore, #tpu.memory_space<semaphore_mem>> -> memref<!tpu.dma_semaphore, #tpu.memory_space<semaphore_mem>>
    %dma_start3A_38 = arith.constant 0 : i32
    %dma_start3A_39 = arith.constant 0 : i32
    %dma_start3A_40 = tpu.memref_slice %arg4[%dma_start3A_28, %dma_start3A_38, %dma_start3A_39] : memref<3x64x512xf32, #tpu.memory_space<vmem>> -> memref<1x64x512xf32, #tpu.memory_space<vmem>>
    %dma_start3A_41 = tpu.memref_squeeze %dma_start3A_40 : memref<1x64x512xf32, #tpu.memory_space<vmem>> -> memref<64x512xf32, #tpu.memory_space<vmem>>
    %dma_start3A_42 = arith.constant 0 : i32
    %dma_start3A_43 = tpu.memref_slice %arg2[%add3A_27, %dma_start3A_42] : memref<10000x512xf32, #tpu.memory_space<hbm>> -> memref<64x512xf32, #tpu.memory_space<hbm>>
    tpu.enqueue_dma source(%dma_start3A_43 : memref<64x512xf32, #tpu.memory_space<hbm>>) target(%dma_start3A_41 : memref<64x512xf32, #tpu.memory_space<vmem>>) target_semaphore(%dma_start3A_37 : memref<!tpu.dma_semaphore, #tpu.memory_space<semaphore_mem>>)
    %add3A_44 = arith.constant 128 : i32
    %add3A_45 = arith.addi %min3A_8, %add3A_44 : i32
    %dma_start3A_46 = arith.constant 2 : i32
    %dma_start3A_47 = arith.constant 2 : i32
    %dma_start3A_48 = arith.constant 0 : i32
    %dma_start3A_49 = arith.constant 0 : i32
    %dma_start3A_50 = tpu.memref_slice %arg4[%dma_start3A_46, %dma_start3A_48, %dma_start3A_49] : memref<3x64x512xf32, #tpu.memory_space<vmem>> -> memref<1x64x512xf32, #tpu.memory_space<vmem>>
    %dma_start3A_51 = tpu.memref_squeeze %dma_start3A_50 : memref<1x64x512xf32, #tpu.memory_space<vmem>> -> memref<64x512xf32, #tpu.memory_space<vmem>>
    %dma_start3A_52 = arith.constant 0 : i32
    %dma_start3A_53 = tpu.memref_slice %arg2[%add3A_45, %dma_start3A_52] : memref<10000x512xf32, #tpu.memory_space<hbm>> -> memref<64x512xf32, #tpu.memory_space<hbm>>
    %dma_start3A_54 = tpu.memref_slice %arg5[%dma_start3A_47] : memref<3x!tpu.dma_semaphore, #tpu.memory_space<semaphore_mem>> -> memref<1x!tpu.dma_semaphore, #tpu.memory_space<semaphore_mem>>
    %dma_start3A_55 = tpu.memref_squeeze %dma_start3A_54 : memref<1x!tpu.dma_semaphore, #tpu.memory_space<semaphore_mem>> -> memref<!tpu.dma_semaphore, #tpu.memory_space<semaphore_mem>>
    %dma_start3A_56 = arith.constant 0 : i32
    %dma_start3A_57 = arith.constant 0 : i32
    %dma_start3A_58 = tpu.memref_slice %arg4[%dma_start3A_46, %dma_start3A_56, %dma_start3A_57] : memref<3x64x512xf32, #tpu.memory_space<vmem>> -> memref<1x64x512xf32, #tpu.memory_space<vmem>>
    %dma_start3A_59 = tpu.memref_squeeze %dma_start3A_58 : memref<1x64x512xf32, #tpu.memory_space<vmem>> -> memref<64x512xf32, #tpu.memory_space<vmem>>
    %dma_start3A_60 = arith.constant 0 : i32
    %dma_start3A_61 = tpu.memref_slice %arg2[%add3A_45, %dma_start3A_60] : memref<10000x512xf32, #tpu.memory_space<hbm>> -> memref<64x512xf32, #tpu.memory_space<hbm>>
    tpu.enqueue_dma source(%dma_start3A_61 : memref<64x512xf32, #tpu.memory_space<hbm>>) target(%dma_start3A_59 : memref<64x512xf32, #tpu.memory_space<vmem>>) target_semaphore(%dma_start3A_55 : memref<!tpu.dma_semaphore, #tpu.memory_space<semaphore_mem>>)
    %add3A_62 = arith.constant 0 : i32
    %add3A_63 = arith.addi %min3A_8, %add3A_62 : i32
    %dma_wait3A = arith.constant 0 : i32
    %dma_wait3A_64 = arith.constant 0 : i32
    %dma_wait3A_65 = arith.constant 0 : i32
    %dma_wait3A_66 = arith.constant 0 : i32
    %dma_wait3A_67 = tpu.memref_slice %arg4[%dma_wait3A, %dma_wait3A_65, %dma_wait3A_66] : memref<3x64x512xf32, #tpu.memory_space<vmem>> -> memref<1x64x512xf32, #tpu.memory_space<vmem>>
    %dma_wait3A_68 = tpu.memref_squeeze %dma_wait3A_67 : memref<1x64x512xf32, #tpu.memory_space<vmem>> -> memref<64x512xf32, #tpu.memory_space<vmem>>
    %dma_wait3A_69 = arith.constant 0 : i32
    %dma_wait3A_70 = tpu.memref_slice %arg2[%add3A_63, %dma_wait3A_69] : memref<10000x512xf32, #tpu.memory_space<hbm>> -> memref<64x512xf32, #tpu.memory_space<hbm>>
    %dma_wait3A_71 = tpu.memref_slice %arg5[%dma_wait3A_64] : memref<3x!tpu.dma_semaphore, #tpu.memory_space<semaphore_mem>> -> memref<1x!tpu.dma_semaphore, #tpu.memory_space<semaphore_mem>>
    %dma_wait3A_72 = tpu.memref_squeeze %dma_wait3A_71 : memref<1x!tpu.dma_semaphore, #tpu.memory_space<semaphore_mem>> -> memref<!tpu.dma_semaphore, #tpu.memory_space<semaphore_mem>>
    %dma_wait3A_73 = arith.constant 0 : i32
    %dma_wait3A_74 = arith.constant 0 : i32
    %dma_wait3A_75 = tpu.memref_slice %arg4[%dma_wait3A, %dma_wait3A_73, %dma_wait3A_74] : memref<3x64x512xf32, #tpu.memory_space<vmem>> -> memref<1x64x512xf32, #tpu.memory_space<vmem>>
    %dma_wait3A_76 = tpu.memref_squeeze %dma_wait3A_75 : memref<1x64x512xf32, #tpu.memory_space<vmem>> -> memref<64x512xf32, #tpu.memory_space<vmem>>
    %dma_wait3A_77 = arith.constant 0 : i32
    %dma_wait3A_78 = tpu.memref_slice %arg2[%add3A_63, %dma_wait3A_77] : memref<10000x512xf32, #tpu.memory_space<hbm>> -> memref<64x512xf32, #tpu.memory_space<hbm>>
    tpu.wait_dma2 semaphore(%dma_wait3A_72 : memref<!tpu.dma_semaphore, #tpu.memory_space<semaphore_mem>>) src(%dma_wait3A_78 : memref<64x512xf32, #tpu.memory_space<hbm>>) dst(%dma_wait3A_76 : memref<64x512xf32, #tpu.memory_space<vmem>>)
    %add3A_79 = arith.constant 0 : i32
    %add3A_80 = arith.addi %min3A_8, %add3A_79 : i32
    %dma_start3A_81 = arith.constant 0 : i32
    %dma_start3A_82 = arith.constant 0 : i32
    %dma_start3A_83 = arith.constant 0 : i32
    %dma_start3A_84 = arith.constant 0 : i32
    %dma_start3A_85 = tpu.memref_slice %arg4[%dma_start3A_81, %dma_start3A_83, %dma_start3A_84] : memref<3x64x512xf32, #tpu.memory_space<vmem>> -> memref<1x64x512xf32, #tpu.memory_space<vmem>>
    %dma_start3A_86 = tpu.memref_squeeze %dma_start3A_85 : memref<1x64x512xf32, #tpu.memory_space<vmem>> -> memref<64x512xf32, #tpu.memory_space<vmem>>
    %dma_start3A_87 = arith.constant 0 : i32
    %dma_start3A_88 = tpu.memref_slice %arg3[%add3A_80, %dma_start3A_87] : memref<10000x512xf32, #tpu.memory_space<hbm>> -> memref<64x512xf32, #tpu.memory_space<hbm>>
    %dma_start3A_89 = tpu.memref_slice %arg6[%dma_start3A_82] : memref<3x!tpu.dma_semaphore, #tpu.memory_space<semaphore_mem>> -> memref<1x!tpu.dma_semaphore, #tpu.memory_space<semaphore_mem>>
    %dma_start3A_90 = tpu.memref_squeeze %dma_start3A_89 : memref<1x!tpu.dma_semaphore, #tpu.memory_space<semaphore_mem>> -> memref<!tpu.dma_semaphore, #tpu.memory_space<semaphore_mem>>
    %dma_start3A_91 = arith.constant 0 : i32
    %dma_start3A_92 = tpu.memref_slice %arg3[%add3A_80, %dma_start3A_91] : memref<10000x512xf32, #tpu.memory_space<hbm>> -> memref<64x512xf32, #tpu.memory_space<hbm>>
    %dma_start3A_93 = arith.constant 0 : i32
    %dma_start3A_94 = arith.constant 0 : i32
    %dma_start3A_95 = tpu.memref_slice %arg4[%dma_start3A_81, %dma_start3A_93, %dma_start3A_94] : memref<3x64x512xf32, #tpu.memory_space<vmem>> -> memref<1x64x512xf32, #tpu.memory_space<vmem>>
    %dma_start3A_96 = tpu.memref_squeeze %dma_start3A_95 : memref<1x64x512xf32, #tpu.memory_space<vmem>> -> memref<64x512xf32, #tpu.memory_space<vmem>>
    tpu.enqueue_dma source(%dma_start3A_96 : memref<64x512xf32, #tpu.memory_space<vmem>>) target(%dma_start3A_92 : memref<64x512xf32, #tpu.memory_space<hbm>>) target_semaphore(%dma_start3A_90 : memref<!tpu.dma_semaphore, #tpu.memory_space<semaphore_mem>>)
    %add3A_97 = arith.constant 0 : i32
    %add3A_98 = arith.addi %min3A_8, %add3A_97 : i32
    %dma_wait3A_99 = arith.constant 0 : i32
    %dma_wait3A_100 = arith.constant 0 : i32
    %dma_wait3A_101 = arith.constant 0 : i32
    %dma_wait3A_102 = arith.constant 0 : i32
    %dma_wait3A_103 = tpu.memref_slice %arg4[%dma_wait3A_99, %dma_wait3A_101, %dma_wait3A_102] : memref<3x64x512xf32, #tpu.memory_space<vmem>> -> memref<1x64x512xf32, #tpu.memory_space<vmem>>
    %dma_wait3A_104 = tpu.memref_squeeze %dma_wait3A_103 : memref<1x64x512xf32, #tpu.memory_space<vmem>> -> memref<64x512xf32, #tpu.memory_space<vmem>>
    %dma_wait3A_105 = arith.constant 0 : i32
    %dma_wait3A_106 = tpu.memref_slice %arg3[%add3A_98, %dma_wait3A_105] : memref<10000x512xf32, #tpu.memory_space<hbm>> -> memref<64x512xf32, #tpu.memory_space<hbm>>
    %dma_wait3A_107 = tpu.memref_slice %arg6[%dma_wait3A_100] : memref<3x!tpu.dma_semaphore, #tpu.memory_space<semaphore_mem>> -> memref<1x!tpu.dma_semaphore, #tpu.memory_space<semaphore_mem>>
    %dma_wait3A_108 = tpu.memref_squeeze %dma_wait3A_107 : memref<1x!tpu.dma_semaphore, #tpu.memory_space<semaphore_mem>> -> memref<!tpu.dma_semaphore, #tpu.memory_space<semaphore_mem>>
    %dma_wait3A_109 = arith.constant 0 : i32
    %dma_wait3A_110 = tpu.memref_slice %arg3[%add3A_98, %dma_wait3A_109] : memref<10000x512xf32, #tpu.memory_space<hbm>> -> memref<64x512xf32, #tpu.memory_space<hbm>>
    %dma_wait3A_111 = arith.constant 0 : i32
    %dma_wait3A_112 = arith.constant 0 : i32
    %dma_wait3A_113 = tpu.memref_slice %arg4[%dma_wait3A_99, %dma_wait3A_111, %dma_wait3A_112] : memref<3x64x512xf32, #tpu.memory_space<vmem>> -> memref<1x64x512xf32, #tpu.memory_space<vmem>>
    %dma_wait3A_114 = tpu.memref_squeeze %dma_wait3A_113 : memref<1x64x512xf32, #tpu.memory_space<vmem>> -> memref<64x512xf32, #tpu.memory_space<vmem>>
    tpu.wait_dma2 semaphore(%dma_wait3A_108 : memref<!tpu.dma_semaphore, #tpu.memory_space<semaphore_mem>>) src(%dma_wait3A_114 : memref<64x512xf32, #tpu.memory_space<vmem>>) dst(%dma_wait3A_110 : memref<64x512xf32, #tpu.memory_space<hbm>>)
    %add3A_115 = arith.constant 192 : i32
    %add3A_116 = arith.addi %min3A_8, %add3A_115 : i32
    %dma_start3A_117 = arith.constant 0 : i32
    %dma_start3A_118 = arith.constant 0 : i32
    %dma_start3A_119 = arith.constant 0 : i32
    %dma_start3A_120 = arith.constant 0 : i32
    %dma_start3A_121 = tpu.memref_slice %arg4[%dma_start3A_117, %dma_start3A_119, %dma_start3A_120] : memref<3x64x512xf32, #tpu.memory_space<vmem>> -> memref<1x64x512xf32, #tpu.memory_space<vmem>>
    %dma_start3A_122 = tpu.memref_squeeze %dma_start3A_121 : memref<1x64x512xf32, #tpu.memory_space<vmem>> -> memref<64x512xf32, #tpu.memory_space<vmem>>
    %dma_start3A_123 = arith.constant 0 : i32
    %dma_start3A_124 = tpu.memref_slice %arg2[%add3A_116, %dma_start3A_123] : memref<10000x512xf32, #tpu.memory_space<hbm>> -> memref<64x512xf32, #tpu.memory_space<hbm>>
    %dma_start3A_125 = tpu.memref_slice %arg5[%dma_start3A_118] : memref<3x!tpu.dma_semaphore, #tpu.memory_space<semaphore_mem>> -> memref<1x!tpu.dma_semaphore, #tpu.memory_space<semaphore_mem>>
    %dma_start3A_126 = tpu.memref_squeeze %dma_start3A_125 : memref<1x!tpu.dma_semaphore, #tpu.memory_space<semaphore_mem>> -> memref<!tpu.dma_semaphore, #tpu.memory_space<semaphore_mem>>
    %dma_start3A_127 = arith.constant 0 : i32
    %dma_start3A_128 = arith.constant 0 : i32
    %dma_start3A_129 = tpu.memref_slice %arg4[%dma_start3A_117, %dma_start3A_127, %dma_start3A_128] : memref<3x64x512xf32, #tpu.memory_space<vmem>> -> memref<1x64x512xf32, #tpu.memory_space<vmem>>
    %dma_start3A_130 = tpu.memref_squeeze %dma_start3A_129 : memref<1x64x512xf32, #tpu.memory_space<vmem>> -> memref<64x512xf32, #tpu.memory_space<vmem>>
    %dma_start3A_131 = arith.constant 0 : i32
    %dma_start3A_132 = tpu.memref_slice %arg2[%add3A_116, %dma_start3A_131] : memref<10000x512xf32, #tpu.memory_space<hbm>> -> memref<64x512xf32, #tpu.memory_space<hbm>>
    tpu.enqueue_dma source(%dma_start3A_132 : memref<64x512xf32, #tpu.memory_space<hbm>>) target(%dma_start3A_130 : memref<64x512xf32, #tpu.memory_space<vmem>>) target_semaphore(%dma_start3A_126 : memref<!tpu.dma_semaphore, #tpu.memory_space<semaphore_mem>>)
    %add3A_133 = arith.constant 64 : i32
    %add3A_134 = arith.addi %min3A_8, %add3A_133 : i32
    %dma_wait3A_135 = arith.constant 1 : i32
    %dma_wait3A_136 = arith.constant 1 : i32
    %dma_wait3A_137 = arith.constant 0 : i32
    %dma_wait3A_138 = arith.constant 0 : i32
    %dma_wait3A_139 = tpu.memref_slice %arg4[%dma_wait3A_135, %dma_wait3A_137, %dma_wait3A_138] : memref<3x64x512xf32, #tpu.memory_space<vmem>> -> memref<1x64x512xf32, #tpu.memory_space<vmem>>
    %dma_wait3A_140 = tpu.memref_squeeze %dma_wait3A_139 : memref<1x64x512xf32, #tpu.memory_space<vmem>> -> memref<64x512xf32, #tpu.memory_space<vmem>>
    %dma_wait3A_141 = arith.constant 0 : i32
    %dma_wait3A_142 = tpu.memref_slice %arg2[%add3A_134, %dma_wait3A_141] : memref<10000x512xf32, #tpu.memory_space<hbm>> -> memref<64x512xf32, #tpu.memory_space<hbm>>
    %dma_wait3A_143 = tpu.memref_slice %arg5[%dma_wait3A_136] : memref<3x!tpu.dma_semaphore, #tpu.memory_space<semaphore_mem>> -> memref<1x!tpu.dma_semaphore, #tpu.memory_space<semaphore_mem>>
    %dma_wait3A_144 = tpu.memref_squeeze %dma_wait3A_143 : memref<1x!tpu.dma_semaphore, #tpu.memory_space<semaphore_mem>> -> memref<!tpu.dma_semaphore, #tpu.memory_space<semaphore_mem>>
    %dma_wait3A_145 = arith.constant 0 : i32
    %dma_wait3A_146 = arith.constant 0 : i32
    %dma_wait3A_147 = tpu.memref_slice %arg4[%dma_wait3A_135, %dma_wait3A_145, %dma_wait3A_146] : memref<3x64x512xf32, #tpu.memory_space<vmem>> -> memref<1x64x512xf32, #tpu.memory_space<vmem>>
    %dma_wait3A_148 = tpu.memref_squeeze %dma_wait3A_147 : memref<1x64x512xf32, #tpu.memory_space<vmem>> -> memref<64x512xf32, #tpu.memory_space<vmem>>
    %dma_wait3A_149 = arith.constant 0 : i32
    %dma_wait3A_150 = tpu.memref_slice %arg2[%add3A_134, %dma_wait3A_149] : memref<10000x512xf32, #tpu.memory_space<hbm>> -> memref<64x512xf32, #tpu.memory_space<hbm>>
    tpu.wait_dma2 semaphore(%dma_wait3A_144 : memref<!tpu.dma_semaphore, #tpu.memory_space<semaphore_mem>>) src(%dma_wait3A_150 : memref<64x512xf32, #tpu.memory_space<hbm>>) dst(%dma_wait3A_148 : memref<64x512xf32, #tpu.memory_space<vmem>>)
    %add3A_151 = arith.constant 64 : i32
    %add3A_152 = arith.addi %min3A_8, %add3A_151 : i32
    %dma_start3A_153 = arith.constant 1 : i32
    %dma_start3A_154 = arith.constant 1 : i32
    %dma_start3A_155 = arith.constant 0 : i32
    %dma_start3A_156 = arith.constant 0 : i32
    %dma_start3A_157 = tpu.memref_slice %arg4[%dma_start3A_153, %dma_start3A_155, %dma_start3A_156] : memref<3x64x512xf32, #tpu.memory_space<vmem>> -> memref<1x64x512xf32, #tpu.memory_space<vmem>>
    %dma_start3A_158 = tpu.memref_squeeze %dma_start3A_157 : memref<1x64x512xf32, #tpu.memory_space<vmem>> -> memref<64x512xf32, #tpu.memory_space<vmem>>
    %dma_start3A_159 = arith.constant 0 : i32
    %dma_start3A_160 = tpu.memref_slice %arg3[%add3A_152, %dma_start3A_159] : memref<10000x512xf32, #tpu.memory_space<hbm>> -> memref<64x512xf32, #tpu.memory_space<hbm>>
    %dma_start3A_161 = tpu.memref_slice %arg6[%dma_start3A_154] : memref<3x!tpu.dma_semaphore, #tpu.memory_space<semaphore_mem>> -> memref<1x!tpu.dma_semaphore, #tpu.memory_space<semaphore_mem>>
    %dma_start3A_162 = tpu.memref_squeeze %dma_start3A_161 : memref<1x!tpu.dma_semaphore, #tpu.memory_space<semaphore_mem>> -> memref<!tpu.dma_semaphore, #tpu.memory_space<semaphore_mem>>
    %dma_start3A_163 = arith.constant 0 : i32
    %dma_start3A_164 = tpu.memref_slice %arg3[%add3A_152, %dma_start3A_163] : memref<10000x512xf32, #tpu.memory_space<hbm>> -> memref<64x512xf32, #tpu.memory_space<hbm>>
    %dma_start3A_165 = arith.constant 0 : i32
    %dma_start3A_166 = arith.constant 0 : i32
    %dma_start3A_167 = tpu.memref_slice %arg4[%dma_start3A_153, %dma_start3A_165, %dma_start3A_166] : memref<3x64x512xf32, #tpu.memory_space<vmem>> -> memref<1x64x512xf32, #tpu.memory_space<vmem>>
    %dma_start3A_168 = tpu.memref_squeeze %dma_start3A_167 : memref<1x64x512xf32, #tpu.memory_space<vmem>> -> memref<64x512xf32, #tpu.memory_space<vmem>>
    tpu.enqueue_dma source(%dma_start3A_168 : memref<64x512xf32, #tpu.memory_space<vmem>>) target(%dma_start3A_164 : memref<64x512xf32, #tpu.memory_space<hbm>>) target_semaphore(%dma_start3A_162 : memref<!tpu.dma_semaphore, #tpu.memory_space<semaphore_mem>>)
    %add3A_169 = arith.constant 64 : i32
    %add3A_170 = arith.addi %min3A_8, %add3A_169 : i32
    %dma_wait3A_171 = arith.constant 1 : i32
    %dma_wait3A_172 = arith.constant 1 : i32
    %dma_wait3A_173 = arith.constant 0 : i32
    %dma_wait3A_174 = arith.constant 0 : i32
    %dma_wait3A_175 = tpu.memref_slice %arg4[%dma_wait3A_171, %dma_wait3A_173, %dma_wait3A_174] : memref<3x64x512xf32, #tpu.memory_space<vmem>> -> memref<1x64x512xf32, #tpu.memory_space<vmem>>
    %dma_wait3A_176 = tpu.memref_squeeze %dma_wait3A_175 : memref<1x64x512xf32, #tpu.memory_space<vmem>> -> memref<64x512xf32, #tpu.memory_space<vmem>>
    %dma_wait3A_177 = arith.constant 0 : i32
    %dma_wait3A_178 = tpu.memref_slice %arg3[%add3A_170, %dma_wait3A_177] : memref<10000x512xf32, #tpu.memory_space<hbm>> -> memref<64x512xf32, #tpu.memory_space<hbm>>
    %dma_wait3A_179 = tpu.memref_slice %arg6[%dma_wait3A_172] : memref<3x!tpu.dma_semaphore, #tpu.memory_space<semaphore_mem>> -> memref<1x!tpu.dma_semaphore, #tpu.memory_space<semaphore_mem>>
    %dma_wait3A_180 = tpu.memref_squeeze %dma_wait3A_179 : memref<1x!tpu.dma_semaphore, #tpu.memory_space<semaphore_mem>> -> memref<!tpu.dma_semaphore, #tpu.memory_space<semaphore_mem>>
    %dma_wait3A_181 = arith.constant 0 : i32
    %dma_wait3A_182 = tpu.memref_slice %arg3[%add3A_170, %dma_wait3A_181] : memref<10000x512xf32, #tpu.memory_space<hbm>> -> memref<64x512xf32, #tpu.memory_space<hbm>>
    %dma_wait3A_183 = arith.constant 0 : i32
    %dma_wait3A_184 = arith.constant 0 : i32
    %dma_wait3A_185 = tpu.memref_slice %arg4[%dma_wait3A_171, %dma_wait3A_183, %dma_wait3A_184] : memref<3x64x512xf32, #tpu.memory_space<vmem>> -> memref<1x64x512xf32, #tpu.memory_space<vmem>>
    %dma_wait3A_186 = tpu.memref_squeeze %dma_wait3A_185 : memref<1x64x512xf32, #tpu.memory_space<vmem>> -> memref<64x512xf32, #tpu.memory_space<vmem>>
    tpu.wait_dma2 semaphore(%dma_wait3A_180 : memref<!tpu.dma_semaphore, #tpu.memory_space<semaphore_mem>>) src(%dma_wait3A_186 : memref<64x512xf32, #tpu.memory_space<vmem>>) dst(%dma_wait3A_182 : memref<64x512xf32, #tpu.memory_space<hbm>>)
    %add3A_187 = arith.constant 256 : i32
    %add3A_188 = arith.addi %min3A_8, %add3A_187 : i32
    %dma_start3A_189 = arith.constant 1 : i32
    %dma_start3A_190 = arith.constant 1 : i32
    %dma_start3A_191 = arith.constant 0 : i32
    %dma_start3A_192 = arith.constant 0 : i32
    %dma_start3A_193 = tpu.memref_slice %arg4[%dma_start3A_189, %dma_start3A_191, %dma_start3A_192] : memref<3x64x512xf32, #tpu.memory_space<vmem>> -> memref<1x64x512xf32, #tpu.memory_space<vmem>>
    %dma_start3A_194 = tpu.memref_squeeze %dma_start3A_193 : memref<1x64x512xf32, #tpu.memory_space<vmem>> -> memref<64x512xf32, #tpu.memory_space<vmem>>
    %dma_start3A_195 = arith.constant 0 : i32
    %dma_start3A_196 = tpu.memref_slice %arg2[%add3A_188, %dma_start3A_195] : memref<10000x512xf32, #tpu.memory_space<hbm>> -> memref<64x512xf32, #tpu.memory_space<hbm>>
    %dma_start3A_197 = tpu.memref_slice %arg5[%dma_start3A_190] : memref<3x!tpu.dma_semaphore, #tpu.memory_space<semaphore_mem>> -> memref<1x!tpu.dma_semaphore, #tpu.memory_space<semaphore_mem>>
    %dma_start3A_198 = tpu.memref_squeeze %dma_start3A_197 : memref<1x!tpu.dma_semaphore, #tpu.memory_space<semaphore_mem>> -> memref<!tpu.dma_semaphore, #tpu.memory_space<semaphore_mem>>
    %dma_start3A_199 = arith.constant 0 : i32
    %dma_start3A_200 = arith.constant 0 : i32
    %dma_start3A_201 = tpu.memref_slice %arg4[%dma_start3A_189, %dma_start3A_199, %dma_start3A_200] : memref<3x64x512xf32, #tpu.memory_space<vmem>> -> memref<1x64x512xf32, #tpu.memory_space<vmem>>
    %dma_start3A_202 = tpu.memref_squeeze %dma_start3A_201 : memref<1x64x512xf32, #tpu.memory_space<vmem>> -> memref<64x512xf32, #tpu.memory_space<vmem>>
    %dma_start3A_203 = arith.constant 0 : i32
    %dma_start3A_204 = tpu.memref_slice %arg2[%add3A_188, %dma_start3A_203] : memref<10000x512xf32, #tpu.memory_space<hbm>> -> memref<64x512xf32, #tpu.memory_space<hbm>>
    tpu.enqueue_dma source(%dma_start3A_204 : memref<64x512xf32, #tpu.memory_space<hbm>>) target(%dma_start3A_202 : memref<64x512xf32, #tpu.memory_space<vmem>>) target_semaphore(%dma_start3A_198 : memref<!tpu.dma_semaphore, #tpu.memory_space<semaphore_mem>>)
    %add3A_205 = arith.constant 128 : i32
    %add3A_206 = arith.addi %min3A_8, %add3A_205 : i32
    %dma_wait3A_207 = arith.constant 2 : i32
    %dma_wait3A_208 = arith.constant 2 : i32
    %dma_wait3A_209 = arith.constant 0 : i32
    %dma_wait3A_210 = arith.constant 0 : i32
    %dma_wait3A_211 = tpu.memref_slice %arg4[%dma_wait3A_207, %dma_wait3A_209, %dma_wait3A_210] : memref<3x64x512xf32, #tpu.memory_space<vmem>> -> memref<1x64x512xf32, #tpu.memory_space<vmem>>
    %dma_wait3A_212 = tpu.memref_squeeze %dma_wait3A_211 : memref<1x64x512xf32, #tpu.memory_space<vmem>> -> memref<64x512xf32, #tpu.memory_space<vmem>>
    %dma_wait3A_213 = arith.constant 0 : i32
    %dma_wait3A_214 = tpu.memref_slice %arg2[%add3A_206, %dma_wait3A_213] : memref<10000x512xf32, #tpu.memory_space<hbm>> -> memref<64x512xf32, #tpu.memory_space<hbm>>
    %dma_wait3A_215 = tpu.memref_slice %arg5[%dma_wait3A_208] : memref<3x!tpu.dma_semaphore, #tpu.memory_space<semaphore_mem>> -> memref<1x!tpu.dma_semaphore, #tpu.memory_space<semaphore_mem>>
    %dma_wait3A_216 = tpu.memref_squeeze %dma_wait3A_215 : memref<1x!tpu.dma_semaphore, #tpu.memory_space<semaphore_mem>> -> memref<!tpu.dma_semaphore, #tpu.memory_space<semaphore_mem>>
    %dma_wait3A_217 = arith.constant 0 : i32
    %dma_wait3A_218 = arith.constant 0 : i32
    %dma_wait3A_219 = tpu.memref_slice %arg4[%dma_wait3A_207, %dma_wait3A_217, %dma_wait3A_218] : memref<3x64x512xf32, #tpu.memory_space<vmem>> -> memref<1x64x512xf32, #tpu.memory_space<vmem>>
    %dma_wait3A_220 = tpu.memref_squeeze %dma_wait3A_219 : memref<1x64x512xf32, #tpu.memory_space<vmem>> -> memref<64x512xf32, #tpu.memory_space<vmem>>
    %dma_wait3A_221 = arith.constant 0 : i32
    %dma_wait3A_222 = tpu.memref_slice %arg2[%add3A_206, %dma_wait3A_221] : memref<10000x512xf32, #tpu.memory_space<hbm>> -> memref<64x512xf32, #tpu.memory_space<hbm>>
    tpu.wait_dma2 semaphore(%dma_wait3A_216 : memref<!tpu.dma_semaphore, #tpu.memory_space<semaphore_mem>>) src(%dma_wait3A_222 : memref<64x512xf32, #tpu.memory_space<hbm>>) dst(%dma_wait3A_220 : memref<64x512xf32, #tpu.memory_space<vmem>>)
    %add3A_223 = arith.constant 128 : i32
    %add3A_224 = arith.addi %min3A_8, %add3A_223 : i32
    %dma_start3A_225 = arith.constant 2 : i32
    %dma_start3A_226 = arith.constant 2 : i32
    %dma_start3A_227 = arith.constant 0 : i32
    %dma_start3A_228 = arith.constant 0 : i32
    %dma_start3A_229 = tpu.memref_slice %arg4[%dma_start3A_225, %dma_start3A_227, %dma_start3A_228] : memref<3x64x512xf32, #tpu.memory_space<vmem>> -> memref<1x64x512xf32, #tpu.memory_space<vmem>>
    %dma_start3A_230 = tpu.memref_squeeze %dma_start3A_229 : memref<1x64x512xf32, #tpu.memory_space<vmem>> -> memref<64x512xf32, #tpu.memory_space<vmem>>
    %dma_start3A_231 = arith.constant 0 : i32
    %dma_start3A_232 = tpu.memref_slice %arg3[%add3A_224, %dma_start3A_231] : memref<10000x512xf32, #tpu.memory_space<hbm>> -> memref<64x512xf32, #tpu.memory_space<hbm>>
    %dma_start3A_233 = tpu.memref_slice %arg6[%dma_start3A_226] : memref<3x!tpu.dma_semaphore, #tpu.memory_space<semaphore_mem>> -> memref<1x!tpu.dma_semaphore, #tpu.memory_space<semaphore_mem>>
    %dma_start3A_234 = tpu.memref_squeeze %dma_start3A_233 : memref<1x!tpu.dma_semaphore, #tpu.memory_space<semaphore_mem>> -> memref<!tpu.dma_semaphore, #tpu.memory_space<semaphore_mem>>
    %dma_start3A_235 = arith.constant 0 : i32
    %dma_start3A_236 = tpu.memref_slice %arg3[%add3A_224, %dma_start3A_235] : memref<10000x512xf32, #tpu.memory_space<hbm>> -> memref<64x512xf32, #tpu.memory_space<hbm>>
    %dma_start3A_237 = arith.constant 0 : i32
    %dma_start3A_238 = arith.constant 0 : i32
    %dma_start3A_239 = tpu.memref_slice %arg4[%dma_start3A_225, %dma_start3A_237, %dma_start3A_238] : memref<3x64x512xf32, #tpu.memory_space<vmem>> -> memref<1x64x512xf32, #tpu.memory_space<vmem>>
    %dma_start3A_240 = tpu.memref_squeeze %dma_start3A_239 : memref<1x64x512xf32, #tpu.memory_space<vmem>> -> memref<64x512xf32, #tpu.memory_space<vmem>>
    tpu.enqueue_dma source(%dma_start3A_240 : memref<64x512xf32, #tpu.memory_space<vmem>>) target(%dma_start3A_236 : memref<64x512xf32, #tpu.memory_space<hbm>>) target_semaphore(%dma_start3A_234 : memref<!tpu.dma_semaphore, #tpu.memory_space<semaphore_mem>>)
    %add3A_241 = arith.constant 192 : i32
    %add3A_242 = arith.addi %min3A_8, %add3A_241 : i32
    %dma_wait3A_243 = arith.constant 0 : i32
    %dma_wait3A_244 = arith.constant 0 : i32
    %dma_wait3A_245 = arith.constant 0 : i32
    %dma_wait3A_246 = arith.constant 0 : i32
    %dma_wait3A_247 = tpu.memref_slice %arg4[%dma_wait3A_243, %dma_wait3A_245, %dma_wait3A_246] : memref<3x64x512xf32, #tpu.memory_space<vmem>> -> memref<1x64x512xf32, #tpu.memory_space<vmem>>
    %dma_wait3A_248 = tpu.memref_squeeze %dma_wait3A_247 : memref<1x64x512xf32, #tpu.memory_space<vmem>> -> memref<64x512xf32, #tpu.memory_space<vmem>>
    %dma_wait3A_249 = arith.constant 0 : i32
    %dma_wait3A_250 = tpu.memref_slice %arg2[%add3A_242, %dma_wait3A_249] : memref<10000x512xf32, #tpu.memory_space<hbm>> -> memref<64x512xf32, #tpu.memory_space<hbm>>
    %dma_wait3A_251 = tpu.memref_slice %arg5[%dma_wait3A_244] : memref<3x!tpu.dma_semaphore, #tpu.memory_space<semaphore_mem>> -> memref<1x!tpu.dma_semaphore, #tpu.memory_space<semaphore_mem>>
    %dma_wait3A_252 = tpu.memref_squeeze %dma_wait3A_251 : memref<1x!tpu.dma_semaphore, #tpu.memory_space<semaphore_mem>> -> memref<!tpu.dma_semaphore, #tpu.memory_space<semaphore_mem>>
    %dma_wait3A_253 = arith.constant 0 : i32
    %dma_wait3A_254 = arith.constant 0 : i32
    %dma_wait3A_255 = tpu.memref_slice %arg4[%dma_wait3A_243, %dma_wait3A_253, %dma_wait3A_254] : memref<3x64x512xf32, #tpu.memory_space<vmem>> -> memref<1x64x512xf32, #tpu.memory_space<vmem>>
    %dma_wait3A_256 = tpu.memref_squeeze %dma_wait3A_255 : memref<1x64x512xf32, #tpu.memory_space<vmem>> -> memref<64x512xf32, #tpu.memory_space<vmem>>
    %dma_wait3A_257 = arith.constant 0 : i32
    %dma_wait3A_258 = tpu.memref_slice %arg2[%add3A_242, %dma_wait3A_257] : memref<10000x512xf32, #tpu.memory_space<hbm>> -> memref<64x512xf32, #tpu.memory_space<hbm>>
    tpu.wait_dma2 semaphore(%dma_wait3A_252 : memref<!tpu.dma_semaphore, #tpu.memory_space<semaphore_mem>>) src(%dma_wait3A_258 : memref<64x512xf32, #tpu.memory_space<hbm>>) dst(%dma_wait3A_256 : memref<64x512xf32, #tpu.memory_space<vmem>>)
    %add3A_259 = arith.constant 192 : i32
    %add3A_260 = arith.addi %min3A_8, %add3A_259 : i32
    %dma_start3A_261 = arith.constant 0 : i32
    %dma_start3A_262 = arith.constant 0 : i32
    %dma_start3A_263 = arith.constant 0 : i32
    %dma_start3A_264 = arith.constant 0 : i32
    %dma_start3A_265 = tpu.memref_slice %arg4[%dma_start3A_261, %dma_start3A_263, %dma_start3A_264] : memref<3x64x512xf32, #tpu.memory_space<vmem>> -> memref<1x64x512xf32, #tpu.memory_space<vmem>>
    %dma_start3A_266 = tpu.memref_squeeze %dma_start3A_265 : memref<1x64x512xf32, #tpu.memory_space<vmem>> -> memref<64x512xf32, #tpu.memory_space<vmem>>
    %dma_start3A_267 = arith.constant 0 : i32
    %dma_start3A_268 = tpu.memref_slice %arg3[%add3A_260, %dma_start3A_267] : memref<10000x512xf32, #tpu.memory_space<hbm>> -> memref<64x512xf32, #tpu.memory_space<hbm>>
    %dma_start3A_269 = tpu.memref_slice %arg6[%dma_start3A_262] : memref<3x!tpu.dma_semaphore, #tpu.memory_space<semaphore_mem>> -> memref<1x!tpu.dma_semaphore, #tpu.memory_space<semaphore_mem>>
    %dma_start3A_270 = tpu.memref_squeeze %dma_start3A_269 : memref<1x!tpu.dma_semaphore, #tpu.memory_space<semaphore_mem>> -> memref<!tpu.dma_semaphore, #tpu.memory_space<semaphore_mem>>
    %dma_start3A_271 = arith.constant 0 : i32
    %dma_start3A_272 = tpu.memref_slice %arg3[%add3A_260, %dma_start3A_271] : memref<10000x512xf32, #tpu.memory_space<hbm>> -> memref<64x512xf32, #tpu.memory_space<hbm>>
    %dma_start3A_273 = arith.constant 0 : i32
    %dma_start3A_274 = arith.constant 0 : i32
    %dma_start3A_275 = tpu.memref_slice %arg4[%dma_start3A_261, %dma_start3A_273, %dma_start3A_274] : memref<3x64x512xf32, #tpu.memory_space<vmem>> -> memref<1x64x512xf32, #tpu.memory_space<vmem>>
    %dma_start3A_276 = tpu.memref_squeeze %dma_start3A_275 : memref<1x64x512xf32, #tpu.memory_space<vmem>> -> memref<64x512xf32, #tpu.memory_space<vmem>>
    tpu.enqueue_dma source(%dma_start3A_276 : memref<64x512xf32, #tpu.memory_space<vmem>>) target(%dma_start3A_272 : memref<64x512xf32, #tpu.memory_space<hbm>>) target_semaphore(%dma_start3A_270 : memref<!tpu.dma_semaphore, #tpu.memory_space<semaphore_mem>>)
    %add3A_277 = arith.constant 256 : i32
    %add3A_278 = arith.addi %min3A_8, %add3A_277 : i32
    %dma_wait3A_279 = arith.constant 1 : i32
    %dma_wait3A_280 = arith.constant 1 : i32
    %dma_wait3A_281 = arith.constant 0 : i32
    %dma_wait3A_282 = arith.constant 0 : i32
    %dma_wait3A_283 = tpu.memref_slice %arg4[%dma_wait3A_279, %dma_wait3A_281, %dma_wait3A_282] : memref<3x64x512xf32, #tpu.memory_space<vmem>> -> memref<1x64x512xf32, #tpu.memory_space<vmem>>
    %dma_wait3A_284 = tpu.memref_squeeze %dma_wait3A_283 : memref<1x64x512xf32, #tpu.memory_space<vmem>> -> memref<64x512xf32, #tpu.memory_space<vmem>>
    %dma_wait3A_285 = arith.constant 0 : i32
    %dma_wait3A_286 = tpu.memref_slice %arg2[%add3A_278, %dma_wait3A_285] : memref<10000x512xf32, #tpu.memory_space<hbm>> -> memref<64x512xf32, #tpu.memory_space<hbm>>
    %dma_wait3A_287 = tpu.memref_slice %arg5[%dma_wait3A_280] : memref<3x!tpu.dma_semaphore, #tpu.memory_space<semaphore_mem>> -> memref<1x!tpu.dma_semaphore, #tpu.memory_space<semaphore_mem>>
    %dma_wait3A_288 = tpu.memref_squeeze %dma_wait3A_287 : memref<1x!tpu.dma_semaphore, #tpu.memory_space<semaphore_mem>> -> memref<!tpu.dma_semaphore, #tpu.memory_space<semaphore_mem>>
    %dma_wait3A_289 = arith.constant 0 : i32
    %dma_wait3A_290 = arith.constant 0 : i32
    %dma_wait3A_291 = tpu.memref_slice %arg4[%dma_wait3A_279, %dma_wait3A_289, %dma_wait3A_290] : memref<3x64x512xf32, #tpu.memory_space<vmem>> -> memref<1x64x512xf32, #tpu.memory_space<vmem>>
    %dma_wait3A_292 = tpu.memref_squeeze %dma_wait3A_291 : memref<1x64x512xf32, #tpu.memory_space<vmem>> -> memref<64x512xf32, #tpu.memory_space<vmem>>
    %dma_wait3A_293 = arith.constant 0 : i32
    %dma_wait3A_294 = tpu.memref_slice %arg2[%add3A_278, %dma_wait3A_293] : memref<10000x512xf32, #tpu.memory_space<hbm>> -> memref<64x512xf32, #tpu.memory_space<hbm>>
    tpu.wait_dma2 semaphore(%dma_wait3A_288 : memref<!tpu.dma_semaphore, #tpu.memory_space<semaphore_mem>>) src(%dma_wait3A_294 : memref<64x512xf32, #tpu.memory_space<hbm>>) dst(%dma_wait3A_292 : memref<64x512xf32, #tpu.memory_space<vmem>>)
    %add3A_295 = arith.constant 256 : i32
    %add3A_296 = arith.addi %min3A_8, %add3A_295 : i32
    %dma_start3A_297 = arith.constant 1 : i32
    %dma_start3A_298 = arith.constant 1 : i32
    %dma_start3A_299 = arith.constant 0 : i32
    %dma_start3A_300 = arith.constant 0 : i32
    %dma_start3A_301 = tpu.memref_slice %arg4[%dma_start3A_297, %dma_start3A_299, %dma_start3A_300] : memref<3x64x512xf32, #tpu.memory_space<vmem>> -> memref<1x64x512xf32, #tpu.memory_space<vmem>>
    %dma_start3A_302 = tpu.memref_squeeze %dma_start3A_301 : memref<1x64x512xf32, #tpu.memory_space<vmem>> -> memref<64x512xf32, #tpu.memory_space<vmem>>
    %dma_start3A_303 = arith.constant 0 : i32
    %dma_start3A_304 = tpu.memref_slice %arg3[%add3A_296, %dma_start3A_303] : memref<10000x512xf32, #tpu.memory_space<hbm>> -> memref<64x512xf32, #tpu.memory_space<hbm>>
    %dma_start3A_305 = tpu.memref_slice %arg6[%dma_start3A_298] : memref<3x!tpu.dma_semaphore, #tpu.memory_space<semaphore_mem>> -> memref<1x!tpu.dma_semaphore, #tpu.memory_space<semaphore_mem>>
    %dma_start3A_306 = tpu.memref_squeeze %dma_start3A_305 : memref<1x!tpu.dma_semaphore, #tpu.memory_space<semaphore_mem>> -> memref<!tpu.dma_semaphore, #tpu.memory_space<semaphore_mem>>
    %dma_start3A_307 = arith.constant 0 : i32
    %dma_start3A_308 = tpu.memref_slice %arg3[%add3A_296, %dma_start3A_307] : memref<10000x512xf32, #tpu.memory_space<hbm>> -> memref<64x512xf32, #tpu.memory_space<hbm>>
    %dma_start3A_309 = arith.constant 0 : i32
    %dma_start3A_310 = arith.constant 0 : i32
    %dma_start3A_311 = tpu.memref_slice %arg4[%dma_start3A_297, %dma_start3A_309, %dma_start3A_310] : memref<3x64x512xf32, #tpu.memory_space<vmem>> -> memref<1x64x512xf32, #tpu.memory_space<vmem>>
    %dma_start3A_312 = tpu.memref_squeeze %dma_start3A_311 : memref<1x64x512xf32, #tpu.memory_space<vmem>> -> memref<64x512xf32, #tpu.memory_space<vmem>>
    tpu.enqueue_dma source(%dma_start3A_312 : memref<64x512xf32, #tpu.memory_space<vmem>>) target(%dma_start3A_308 : memref<64x512xf32, #tpu.memory_space<hbm>>) target_semaphore(%dma_start3A_306 : memref<!tpu.dma_semaphore, #tpu.memory_space<semaphore_mem>>)
    %add3A_313 = arith.constant 128 : i32
    %add3A_314 = arith.addi %min3A_8, %add3A_313 : i32
    %dma_wait3A_315 = arith.constant 2 : i32
    %dma_wait3A_316 = arith.constant 2 : i32
    %dma_wait3A_317 = arith.constant 0 : i32
    %dma_wait3A_318 = arith.constant 0 : i32
    %dma_wait3A_319 = tpu.memref_slice %arg4[%dma_wait3A_315, %dma_wait3A_317, %dma_wait3A_318] : memref<3x64x512xf32, #tpu.memory_space<vmem>> -> memref<1x64x512xf32, #tpu.memory_space<vmem>>
    %dma_wait3A_320 = tpu.memref_squeeze %dma_wait3A_319 : memref<1x64x512xf32, #tpu.memory_space<vmem>> -> memref<64x512xf32, #tpu.memory_space<vmem>>
    %dma_wait3A_321 = arith.constant 0 : i32
    %dma_wait3A_322 = tpu.memref_slice %arg3[%add3A_314, %dma_wait3A_321] : memref<10000x512xf32, #tpu.memory_space<hbm>> -> memref<64x512xf32, #tpu.memory_space<hbm>>
    %dma_wait3A_323 = tpu.memref_slice %arg6[%dma_wait3A_316] : memref<3x!tpu.dma_semaphore, #tpu.memory_space<semaphore_mem>> -> memref<1x!tpu.dma_semaphore, #tpu.memory_space<semaphore_mem>>
    %dma_wait3A_324 = tpu.memref_squeeze %dma_wait3A_323 : memref<1x!tpu.dma_semaphore, #tpu.memory_space<semaphore_mem>> -> memref<!tpu.dma_semaphore, #tpu.memory_space<semaphore_mem>>
    %dma_wait3A_325 = arith.constant 0 : i32
    %dma_wait3A_326 = tpu.memref_slice %arg3[%add3A_314, %dma_wait3A_325] : memref<10000x512xf32, #tpu.memory_space<hbm>> -> memref<64x512xf32, #tpu.memory_space<hbm>>
    %dma_wait3A_327 = arith.constant 0 : i32
    %dma_wait3A_328 = arith.constant 0 : i32
    %dma_wait3A_329 = tpu.memref_slice %arg4[%dma_wait3A_315, %dma_wait3A_327, %dma_wait3A_328] : memref<3x64x512xf32, #tpu.memory_space<vmem>> -> memref<1x64x512xf32, #tpu.memory_space<vmem>>
    %dma_wait3A_330 = tpu.memref_squeeze %dma_wait3A_329 : memref<1x64x512xf32, #tpu.memory_space<vmem>> -> memref<64x512xf32, #tpu.memory_space<vmem>>
    tpu.wait_dma2 semaphore(%dma_wait3A_324 : memref<!tpu.dma_semaphore, #tpu.memory_space<semaphore_mem>>) src(%dma_wait3A_330 : memref<64x512xf32, #tpu.memory_space<vmem>>) dst(%dma_wait3A_326 : memref<64x512xf32, #tpu.memory_space<hbm>>)
    %add3A_331 = arith.constant 192 : i32
    %add3A_332 = arith.addi %min3A_8, %add3A_331 : i32
    %dma_wait3A_333 = arith.constant 0 : i32
    %dma_wait3A_334 = arith.constant 0 : i32
    %dma_wait3A_335 = arith.constant 0 : i32
    %dma_wait3A_336 = arith.constant 0 : i32
    %dma_wait3A_337 = tpu.memref_slice %arg4[%dma_wait3A_333, %dma_wait3A_335, %dma_wait3A_336] : memref<3x64x512xf32, #tpu.memory_space<vmem>> -> memref<1x64x512xf32, #tpu.memory_space<vmem>>
    %dma_wait3A_338 = tpu.memref_squeeze %dma_wait3A_337 : memref<1x64x512xf32, #tpu.memory_space<vmem>> -> memref<64x512xf32, #tpu.memory_space<vmem>>
    %dma_wait3A_339 = arith.constant 0 : i32
    %dma_wait3A_340 = tpu.memref_slice %arg3[%add3A_332, %dma_wait3A_339] : memref<10000x512xf32, #tpu.memory_space<hbm>> -> memref<64x512xf32, #tpu.memory_space<hbm>>
    %dma_wait3A_341 = tpu.memref_slice %arg6[%dma_wait3A_334] : memref<3x!tpu.dma_semaphore, #tpu.memory_space<semaphore_mem>> -> memref<1x!tpu.dma_semaphore, #tpu.memory_space<semaphore_mem>>
    %dma_wait3A_342 = tpu.memref_squeeze %dma_wait3A_341 : memref<1x!tpu.dma_semaphore, #tpu.memory_space<semaphore_mem>> -> memref<!tpu.dma_semaphore, #tpu.memory_space<semaphore_mem>>
    %dma_wait3A_343 = arith.constant 0 : i32
    %dma_wait3A_344 = tpu.memref_slice %arg3[%add3A_332, %dma_wait3A_343] : memref<10000x512xf32, #tpu.memory_space<hbm>> -> memref<64x512xf32, #tpu.memory_space<hbm>>
    %dma_wait3A_345 = arith.constant 0 : i32
    %dma_wait3A_346 = arith.constant 0 : i32
    %dma_wait3A_347 = tpu.memref_slice %arg4[%dma_wait3A_333, %dma_wait3A_345, %dma_wait3A_346] : memref<3x64x512xf32, #tpu.memory_space<vmem>> -> memref<1x64x512xf32, #tpu.memory_space<vmem>>
    %dma_wait3A_348 = tpu.memref_squeeze %dma_wait3A_347 : memref<1x64x512xf32, #tpu.memory_space<vmem>> -> memref<64x512xf32, #tpu.memory_space<vmem>>
    tpu.wait_dma2 semaphore(%dma_wait3A_342 : memref<!tpu.dma_semaphore, #tpu.memory_space<semaphore_mem>>) src(%dma_wait3A_348 : memref<64x512xf32, #tpu.memory_space<vmem>>) dst(%dma_wait3A_344 : memref<64x512xf32, #tpu.memory_space<hbm>>)
    %add3A_349 = arith.constant 256 : i32
    %add3A_350 = arith.addi %min3A_8, %add3A_349 : i32
    %dma_wait3A_351 = arith.constant 1 : i32
    %dma_wait3A_352 = arith.constant 1 : i32
    %dma_wait3A_353 = arith.constant 0 : i32
    %dma_wait3A_354 = arith.constant 0 : i32
    %dma_wait3A_355 = tpu.memref_slice %arg4[%dma_wait3A_351, %dma_wait3A_353, %dma_wait3A_354] : memref<3x64x512xf32, #tpu.memory_space<vmem>> -> memref<1x64x512xf32, #tpu.memory_space<vmem>>
    %dma_wait3A_356 = tpu.memref_squeeze %dma_wait3A_355 : memref<1x64x512xf32, #tpu.memory_space<vmem>> -> memref<64x512xf32, #tpu.memory_space<vmem>>
    %dma_wait3A_357 = arith.constant 0 : i32
    %dma_wait3A_358 = tpu.memref_slice %arg3[%add3A_350, %dma_wait3A_357] : memref<10000x512xf32, #tpu.memory_space<hbm>> -> memref<64x512xf32, #tpu.memory_space<hbm>>
    %dma_wait3A_359 = tpu.memref_slice %arg6[%dma_wait3A_352] : memref<3x!tpu.dma_semaphore, #tpu.memory_space<semaphore_mem>> -> memref<1x!tpu.dma_semaphore, #tpu.memory_space<semaphore_mem>>
    %dma_wait3A_360 = tpu.memref_squeeze %dma_wait3A_359 : memref<1x!tpu.dma_semaphore, #tpu.memory_space<semaphore_mem>> -> memref<!tpu.dma_semaphore, #tpu.memory_space<semaphore_mem>>
    %dma_wait3A_361 = arith.constant 0 : i32
    %dma_wait3A_362 = tpu.memref_slice %arg3[%add3A_350, %dma_wait3A_361] : memref<10000x512xf32, #tpu.memory_space<hbm>> -> memref<64x512xf32, #tpu.memory_space<hbm>>
    %dma_wait3A_363 = arith.constant 0 : i32
    %dma_wait3A_364 = arith.constant 0 : i32
    %dma_wait3A_365 = tpu.memref_slice %arg4[%dma_wait3A_351, %dma_wait3A_363, %dma_wait3A_364] : memref<3x64x512xf32, #tpu.memory_space<vmem>> -> memref<1x64x512xf32, #tpu.memory_space<vmem>>
    %dma_wait3A_366 = tpu.memref_squeeze %dma_wait3A_365 : memref<1x64x512xf32, #tpu.memory_space<vmem>> -> memref<64x512xf32, #tpu.memory_space<vmem>>
    tpu.wait_dma2 semaphore(%dma_wait3A_360 : memref<!tpu.dma_semaphore, #tpu.memory_space<semaphore_mem>>) src(%dma_wait3A_366 : memref<64x512xf32, #tpu.memory_space<vmem>>) dst(%dma_wait3A_362 : memref<64x512xf32, #tpu.memory_space<hbm>>)
    return
  }
}

</mosaic_0001>

<sc_bundles>
// kernel: kernel.3.cloned.1.call-start
scs
__scs_entry_jumppad:
0x0: {  	(pc) =	sbr.rel $0x88, $3  }
0x1: {  	(tag) =	ssettag $0x0;
	lr =	simm.s32 $0x1  }
0x2: {  	[smem:$0x3FA0] =	sst lr;
	_ =	strace $0xD0000000  }
0x3: {  	_ = 	snop  }
0x4: {  	_ = 	snop  }
0x5: {  	_ = 	snop  }
0x6: {  	_ = 	snop  }
0x7: {  	_ = 	snop  }
__scs_overlays_trampoline_lowered:
0x8: {  	[smem:$0x3FAF] =	sst s0  }
0x9: {  	[smem:$0x3FB0] =	sst s1  }
0xa: {  	[smem:$0x3FB1] =	sst s2  }
0xb: {  	[smem:$0x3FB2] =	sst s3  }
0xc: {  	[smem:$0x3FB3] =	sst s4  }
0xd: {  	[smem:$0x3FB4] =	sst s5  }
0xe: {  	[smem:$0x3FB5] =	sst s6  }
0xf: {  	[smem:$0x3FB6] =	sst s7  }
0x10: {  	[smem:$0x3FB7] =	sst s8  }
0x11: {  	[smem:$0x3FB8] =	sst s9;
	s0 =	simm.s32 @!p0 $0x0  }
0x12: {  	s1 =	sld [smem:$0x3F9E];
	s0 =	simm.s32 @p0 $0x1  }
0x13: {  	[smem:$0x3FB9] =	sst s0;
	s0 =	simm.s32 @!p1 $0x0  }
0x14: {  	s2 =	sld [smem:$0x3F9D];
	s0 =	simm.s32 @p1 $0x1  }
0x15: {  	[smem:$0x3FBA] =	sst s0;
	s0 =	simm.s32 @!p2 $0x0  }
0x16: {  	s3 =	sld [smem:$0x3FDB];
	s0 =	simm.s32 @p2 $0x1  }
0x17: {  	s4 =	simm.s32 $0x1BF5;
	[smem:$0x3FBC] =	sst s0  }
0x18: {  	s0 =	sld [smem:$0x3F9F];
	_ =	swait.ge [sflag:s4], $0x0  }
0x19: {  	s7 =	sld [smem:$0x3FA0]  }
0x1a: {  	s8 =	sadd.s32 $0xFFFFE003, lr  }
0x1b: {  	s9 =	sadd.s32 $0xFFFFFEF7, lr;
	s5 =	simm.s32 $0xFFFFFFFF;
	p2 =	slt.u32 s8, $0xFFFFF086  }
0x1c: {  	p1 =	slt.u32 s9, $0xF7A;
	s5 =	simm.s32 @!p2 $0x0  }
0x1d: {  	s5 =	simm.s32 @p1 $0x1;
	p0 =	seq.s32 s7, s2  }
0x1e: {  	s7 =	smul.u32 @!p0 $0xF7A, s2;
	p2 =	seq.s32 @!p0 s5, $0x0  }
0x1f: {  	s9 =	smul.u32 $0xF7A, s1;
	s8 =	simm.s32 @!p0 $0x1BF5;
	p2 =	por !p2, p0  }
0x20: {  	[sflag:s8] =	ssyncset.s32 @!p0 $0xFFFFF086;
	s6 =	sadd.s32 @!p0 s3, s7;
	s7 =	simm.s32 @!p0 $0x108  }
0x21: {  	s3 =	sadd.s32 s3, s9;
	s6 =	sadd.s32 @!p0 $0x88, s6;
	s7 =	simm.s32 @p2 $0x1082  }
0x22: {  	[simem:s7], [sflag:s8] =	dma.local @!p0 [hbm:s6], $0xF7A  }
0x23: {  	s9 =	sor.u32 $0xD0000000, s2;
	s6 =	simm.s32 $0x108;
	_ =	swait.ge @!p0 [sflag:s8], $0x0  }
0x24: {  	s3 =	sadd.s32 $0x88, s3;
	s6 =	simm.s32 @!p1 $0x1082;
	[sflag:s4] =	ssyncset.s32 $0xFFFFF086  }
0x25: {  	[simem:s6], [sflag:s4] =	dma.local [hbm:s3], $0xF7A  }
0x26: {  	[smem:$0x3FA0] =	sst s1;
	(tag) =	ssettag s2;
	_ =	strace s9  }
0x27: {  	s1 =	sld [smem:$0x3FB0]  }
0x28: {  	s2 =	sld [smem:$0x3FB1]  }
0x29: {  	s4 =	sld [smem:$0x3FB3]  }
0x2a: {  	p0 =	seq.s32 s5, $0x0;
	s5 =	sld [smem:$0x3FB4]  }
0x2b: {  	s6 =	sld [smem:$0x3FB5]  }
0x2c: {  	s7 =	sld [smem:$0x3FB6]  }
0x2d: {  	s3 =	simm.s32 $0x108;
	s8 =	sld [smem:$0x3FB7]  }
0x2e: {  	s3 =	simm.s32 @!p0 $0x1082;
	s9 =	sld [smem:$0x3FB8]  }
0x2f: {  	lr =	sadd.s32 s0, s3;
	s0 =	sld [smem:$0x3FAF]  }
0x30: {  	s3 =	sld [smem:$0x3FB2]  }
0x31: {  	[smem:$0x3FBB] =	sst s10  }
0x32: {  	s10 =	sld [smem:$0x3FB9];
	_ =	sdelay $0x3  }
0x33: {  	p0 =	seq.s32 s10, $0x1;
	s10 =	sld [smem:$0x3FBB];
	_ =	sdelay $0x3  }
0x34: {  	[smem:$0x3FBB] =	sst s10  }
0x35: {  	s10 =	sld [smem:$0x3FBA];
	_ =	sdelay $0x3  }
0x36: {  	p1 =	seq.s32 s10, $0x1;
	s10 =	sld [smem:$0x3FBB];
	_ =	sdelay $0x3  }
0x37: {  	[smem:$0x3FBB] =	sst s10  }
0x38: {  	s10 =	sld [smem:$0x3FBC]  }
0x39: {  	_ = 	snop;
	(pc) =	sbr.ind lr, $3  }
0x3a: {  	_ = 	snop  }
0x3b: {  	_ = 	snop  }
0x3c: {  	p2 =	seq.s32 s10, $0x1;
	s10 =	sld [smem:$0x3FBB]  }
0x3d: {  	_ =	shalt  }
0x3e: {  	_ =	shalt  }
0x3f: {  	_ =	shalt  }
0x40: {  	_ =	shalt  }
0x41: {  	_ =	shalt  }
0x42: {  	_ =	shalt  }
0x43: {  	_ =	shalt  }
0x44: {  	_ =	shalt  }
0x45: {  	_ =	shalt  }
0x46: {  	_ =	shalt  }
0x47: {  	_ =	shalt  }
0x48: {  	_ =	shalt  }
0x49: {  	_ =	shalt  }
0x4a: {  	_ =	shalt  }
0x4b: {  	_ =	shalt  }
0x4c: {  	_ =	shalt  }
0x4d: {  	_ =	shalt  }
0x4e: {  	_ =	shalt  }
0x4f: {  	_ =	shalt  }
0x50: {  	_ =	shalt  }
0x51: {  	_ =	shalt  }
0x52: {  	_ =	shalt  }
0x53: {  	_ =	shalt  }
0x54: {  	_ =	shalt  }
0x55: {  	_ =	shalt  }
0x56: {  	_ =	shalt  }
0x57: {  	_ =	shalt  }
0x58: {  	_ =	shalt  }
0x59: {  	_ =	shalt  }
0x5a: {  	_ =	shalt  }
0x5b: {  	_ =	shalt  }
0x5c: {  	_ =	shalt  }
0x5d: {  	_ =	shalt  }
0x5e: {  	_ =	shalt  }
0x5f: {  	_ =	shalt  }
0x60: {  	_ =	shalt  }
0x61: {  	_ =	shalt  }
0x62: {  	_ =	shalt  }
0x63: {  	_ =	shalt  }
0x64: {  	_ =	shalt  }
0x65: {  	_ =	shalt  }
0x66: {  	_ =	shalt  }
0x67: {  	_ =	shalt  }
0x68: {  	_ =	shalt  }
0x69: {  	_ =	shalt  }
0x6a: {  	_ =	shalt  }
0x6b: {  	_ =	shalt  }
0x6c: {  	_ =	shalt  }
0x6d: {  	_ =	shalt  }
0x6e: {  	_ =	shalt  }
0x6f: {  	_ =	shalt  }
0x70: {  	_ =	shalt  }
0x71: {  	_ =	shalt  }
0x72: {  	_ =	shalt  }
0x73: {  	_ =	shalt  }
0x74: {  	_ =	shalt  }
0x75: {  	_ =	shalt  }
0x76: {  	_ =	shalt  }
0x77: {  	_ =	shalt  }
0x78: {  	_ =	shalt  }
0x79: {  	_ =	shalt  }
0x7a: {  	_ =	shalt  }
0x7b: {  	_ =	shalt  }
0x7c: {  	_ =	shalt  }
0x7d: {  	_ =	shalt  }
0x7e: {  	_ =	shalt  }
0x7f: {  	_ =	shalt  }
0x80: {  	_ =	shalt  }
0x81: {  	_ =	shalt  }
0x82: {  	_ =	shalt  }
0x83: {  	_ =	shalt  }
0x84: {  	_ =	shalt  }
0x85: {  	_ =	shalt  }
0x86: {  	_ =	shalt  }
0x87: {  	_ =	shalt  }
.Lfunc_end0:
.L_simem_size_0:
called_computation_lowered:
.L_overlay_start_0:
0x88: {  	s2 =	sld [smem:$0x3FD9]  }
0x89: {  	s3 =	sld [smem:$0x3FFE];
	_ =	sdelay $0x1  }
0x8a: {  	s1 =	srdreg.scid  }
0x8b: {  	s0 =	sand.u32 $0x1, s1  }
0x8c: {  	s18 =	sshll.u32 s0, $0xA;
	s2 =	sadd.s32 s3, s2  }
0x8d: {  	s2 =	sadd.s32 s2, s18  }
0x8e: {  	[smem:$0x3FC7] =	sst s2  }
0x8f: {  	_ = 	snop  }
0x90: {  	s2 =	sld [smem:$0x3FC9]  }
0x91: {  	s19 =	sld [smem:$0x3FD0];
	(tm) =	ssettm $0x1  }
0x92: {  	s4 =	sld [smem:$0x3FFB];
	_ =	sdelay $0x3  }
0x93: {  	_ =	strace s4  }
0x94: {  	s4 =	sld [smem:$0x3FFC];
	_ =	sdelay $0x3  }
0x95: {  	_ =	strace s4  }
0x96: {  	s4 =	sld [smem:$0x3FFD];
	_ =	sdelay $0x3  }
0x97: {  	_ =	strace s4  }
0x98: {  	_ =	strace $0x8FFFFFFF  }
0x99: {  	s20 =	sld [smem:$0x3FDB];
	_ =	sdelay $0x1  }
0x9a: {  	s5 =	simm.s32 $_scs_section_size  }
0x9b: {  	s6 =	simm.s32 $_size__tile_overlayer_lowered;
	s7 =	simm.s32 $_tile_overlayer_lowered  }
0x9c: {  	s23 =	simm.s32 $0x1BFF;
	s22 =	sshll.u32 s7, $0x1;
	s4 =	sadd.s32 s5, s20  }
0x9d: {  	s8 =	simm.s32 $0x0;
	s21 =	sshll.u32 s6, $0x1;
	s6 =	sadd.s32 s22, s4  }
0x9e: {  	[timem:s8], [sflag:s23] =	dma.local [hbm:s6], s21  }
0x9f: {  	_ =	swait.ge [sflag:s23], s21  }
0xa0: {  	s5 =	ssub.s32 $0x0, s21;
	[sflag:s23] =	ssyncset.done $0x0  }
0xa1: {  	[sflag:s23] =	ssyncadd.s32 s5;
	_ =	sdelay $0x1  }
0xa2: {  	s24 =	simm.s32 $0x1B8B  }
0xa3: {  	_ =	swait.ge [sflag:s24], $0x1  }
0xa4: {  	[sflag:s24] =	ssyncset.done $0x0  }
0xa5: {  	s25 =	simm.s32 $0x1B8E;
	[sflag:s24] =	ssyncadd.s32 $0xFFFFFFFF  }
0xa6: {  	s26 =	simm.s32 $execute0_lowered;
	[smem:$0x3FD2] =	sst s25  }
0xa7: {  	s5 =	sshll.u32 s26, $0x1;
	_ =	strace $0x80000046;
	[dreg:$0x1] =	wrdreg $0xFFFFFFFF  }
0xa8: {  	s28 =	simm.s32 $_size_execute0_lowered;
	s4 =	sadd.s32 s4, s5;
	[dreg:$0x0] =	wrdreg $0x0  }
0xa9: {  	s5 =	sshll.u32 s28, $0x1;
	[dreg:$0x2] =	wrdreg s4  }
0xaa: {  	[dreg:$0x3] =	wrdreg s5  }
0xab: {  	[dreg:$0x4] =	wrdreg $0xC0  }
0xac: {  	_ =	task [dreg:s8], $0x5FFFF  }
0xad: {  	[dreg:$0x1] =	wrdreg $0xFFFFFFFF  }
0xae: {  	[dreg:$0x0] =	wrdreg $0x60  }
0xaf: {  	[dreg:$0x2] =	wrdreg s2  }
0xb0: {  	[dreg:$0x3] =	wrdreg s19  }
0xb1: {  	[dreg:$0x4] =	wrdreg $0x9  }
0xb2: {  	_ =	task.clear_ibuf [dreg:s8], $0x5FFFF;
	_ =	strace $0x90000046  }
0xb3: {  	s29 =	simm.s32 $0x9;
	_ =	strace $0x80000048  }
0xb4: {  	_ =	swait.ge [sflag:s29], $0x1  }
0xb5: {  	[sflag:s29] =	ssyncadd.s32 $0xFFFFFFFF  }
0xb6: {  	_ =	strace $0x90000048  }
0xb7: {  	_ =	sfence  }
0xb8: {  	s30 =	sld [smem:$0x0];
	_ =	sdelay $0x2  }
0xb9: {  	s31 =	sshll.u32 s1, $0xD;
	s1 =	sshrl.u32 s1, $0x2  }
0xba: {  	s3 =	sand.u32 $0x4000, s31;
	s1 =	sadd.s32 s1, s30  }
0xbb: {  	s0 =	sor.u32 s3, s0;
	s1 =	sshll.u32 s1, $0x11  }
0xbc: {  	s0 =	sor.u32 s1, s0  }
0xbd: {  	s0 =	sadd.s32 $0x8F2B, s0  }
0xbe: {  	[sflag:s0] =	ssyncadd.remote.s32 $0x1  }
0xbf: {  	_ =	sfence.sel $0xFFFF  }
0xc0: {  	[dreg:$0x0] =	wrdreg $0xFFFFFFFF;
	(pc) =	sbr.abs _section_cstart, $3  }
0xc1: {  	[dreg:$0x1] =	wrdreg $0xFFFFFFFF  }
0xc2: {  	_ =	task.clear_ibuf [dreg:s8], $0x2FFFF;
	_ =	strace $0x9FFFFFFF  }
0xc3: {  	(tm) =	ssettm $0x7FFFFFFF  }
tec
execute0_lowered:
.L_overlay_start_1:
0x0: {  	(tag) =	ssettag $0x1  }
0x1: {  	s1 =	srdreg.scid;
	s0 =	stileid.u32  }
0x2: {  	s21 =	sand.u32 $0x1, s1;
	s31 =	sshll.u32 s0, $0x1  }
0x3: {  	s1 =	sor.u32 s21, s31  }
0x4: {  	s2 =	smul.u32 $0x27, s1  }
0x5: {  	s1 =	smin.u32 s1, $0x2  }
0x6: {  	s15 =	rddreg [dreg:$0x0];
	s1 =	sadd.s32 s1, s2  }
0x7: {  	s19 =	rddreg [dreg:$0x1];
	s3 =	sshll.u32 s1, $0x3  }
0x8: {  	s2 =	simm.s32 $0x0;
	s1 =	rddreg [dreg:$0x2];
	s3 =	smin.u32 s3, $0x25D0  }
0x9: {  	[smem:$0x7FF] =	sst s2;
	s16 =	sshll.u32 s3, $0x6  }
0xa: {  	_ =	strace $0x80000047;
	s3 =	sadd.s32 s15, s16;
	s13 =	sadd.s32 $0x1000, s16  }
0xb: {  	[tilespmem:s2], [sflag:$0x1] =	stream.linear.gather [hbm4b:s3+s2], $0x8000, $0x38;
	[tilespmem:$0x18000] =	vst v63  }
0xc: {  	s5 =	simm.s32 $0x8000;
	s17 =	sadd.s32 $0x2000, s16;
	s4 =	sadd.s32 s15, s13  }
0xd: {  	[tilespmem:s5], [sflag:$0x2] =	stream.linear.gather [hbm4b:s4+s2], $0x8000, $0x38;
	[tilespmem:$0x18000] =	vst v63  }
0xe: {  	s7 =	simm.s32 $0x10000;
	s8 =	simm.s32 $0x1;
	s6 =	sadd.s32 s15, s17  }
0xf: {  	[tilespmem:s7], [sflag:$0x3] =	stream.linear.gather [hbm4b:s6+s2], $0x8000, $0x38;
	[tilespmem:$0x18000] =	vst v63  }
0x10: {  	_ =	swait.ge [sflag:s8], $0x8000  }
0x11: {  	[sflag:s8] =	ssyncset.done $0x0  }
0x12: {  	s10 =	simm.s32 $0x4;
	s9 =	sadd.s32 s19, s16;
	[sflag:s8] =	ssyncadd.s32 $0xFFFF8000  }
0x13: {  	[hbm4b:s9+s2] =	stream.linear.scatter [tilespmem:s2], [sflag:$0x4], $0x8000, $0x38;
	[tilespmem:$0x18000] =	vst v63  }
0x14: {  	_ =	swait.ge [sflag:s10], $0x8000  }
0x15: {  	s18 =	sadd.s32 $0x3000, s16;
	[sflag:s10] =	ssyncset.done $0x0  }
0x16: {  	s12 =	simm.s32 $0x2;
	s11 =	sadd.s32 s15, s18;
	[sflag:s10] =	ssyncadd.s32 $0xFFFF8000  }
0x17: {  	[tilespmem:s2], [sflag:$0x1] =	stream.linear.gather [hbm4b:s11+s2], $0x8000, $0x38;
	[tilespmem:$0x18000] =	vst v63  }
0x18: {  	_ =	swait.ge [sflag:s12], $0x8000  }
0x19: {  	[sflag:s12] =	ssyncset.done $0x0  }
0x1a: {  	s14 =	sadd.s32 s19, s13;
	s13 =	simm.s32 $0x5;
	[sflag:s12] =	ssyncadd.s32 $0xFFFF8000  }
0x1b: {  	[hbm4b:s14+s2] =	stream.linear.scatter [tilespmem:s5], [sflag:$0x5], $0x8000, $0x38;
	[tilespmem:$0x18000] =	vst v63  }
0x1c: {  	_ =	swait.ge [sflag:s13], $0x8000  }
0x1d: {  	s20 =	sadd.s32 $0x4000, s16;
	[sflag:s13] =	ssyncset.done $0x0  }
0x1e: {  	s16 =	simm.s32 $0x3;
	s15 =	sadd.s32 s15, s20;
	[sflag:s13] =	ssyncadd.s32 $0xFFFF8000  }
0x1f: {  	[tilespmem:s5], [sflag:$0x2] =	stream.linear.gather [hbm4b:s15+s2], $0x8000, $0x38;
	[tilespmem:$0x18000] =	vst v63  }
0x20: {  	_ =	swait.ge [sflag:s16], $0x8000  }
0x21: {  	[sflag:s16] =	ssyncset.done $0x0  }
0x22: {  	s17 =	sadd.s32 s19, s17;
	[sflag:s16] =	ssyncadd.s32 $0xFFFF8000  }
0x23: {  	[hbm4b:s17+s2] =	stream.linear.scatter [tilespmem:s7], [sflag:$0x6], $0x8000, $0x38;
	[tilespmem:$0x18000] =	vst v63  }
0x24: {  	_ =	swait.ge [sflag:s8], $0x8000  }
0x25: {  	[sflag:s8] =	ssyncset.done $0x0  }
0x26: {  	s18 =	sadd.s32 s19, s18;
	[sflag:s8] =	ssyncadd.s32 $0xFFFF8000  }
0x27: {  	[hbm4b:s18+s2] =	stream.linear.scatter [tilespmem:s2], [sflag:$0x4], $0x8000, $0x38;
	[tilespmem:$0x18000] =	vst v63  }
0x28: {  	s21 =	ssub.s32 $0x2, s21;
	_ =	swait.ge [sflag:s12], $0x8000  }
0x29: {  	s22 =	sshrl.u32 s21, $0x1;
	[sflag:s12] =	ssyncset.done $0x0  }
0x2a: {  	s19 =	sadd.s32 s19, s20;
	s20 =	simm.s32 $0x6;
	[sflag:s12] =	ssyncadd.s32 $0xFFFF8000  }
0x2b: {  	[hbm4b:s19+s2] =	stream.linear.scatter [tilespmem:s5], [sflag:$0x5], $0x8000, $0x38;
	[tilespmem:$0x18000] =	vst v63  }
0x2c: {  	s21 =	ssub.s32 s21, s22;
	_ =	swait.ge [sflag:s20], $0x8000  }
0x2d: {  	s21 =	smax.u32 s21, $0x1;
	[sflag:s20] =	ssyncset.done $0x0  }
0x2e: {  	p0 =	sne.s32 s21, $0x1;
	[sflag:s20] =	ssyncadd.s32 $0xFFFF8000  }
.Ltmp0:
0x2f: {  	_ =	swait.ge [sflag:s10], $0x8000;
	(pc) =	sbr.rel @!p0 .LBB2_2-.Ltmp0, $4  }
0x30: {  	[sflag:s10] =	ssyncset.done $0x0  }
0x31: {  	[sflag:s10] =	ssyncadd.s32 $0xFFFF8000  }
0x32: {  	_ =	swait.ge [sflag:s13], $0x8000  }
0x33: {  	s21 =	sadd.s32 $0xFFFFFFFF, s21;
	[sflag:s13] =	ssyncset.done $0x0  }
.LBB2_1:
0x34: {  	p0 =	sne.s32 s21, $0x1;
	s21 =	sadd.s32 $0xFFFFFFFF, s21;
	[sflag:s13] =	ssyncadd.s32 $0xFFFF8000  }
0x35: {  	[tilespmem:s2], [sflag:$0x1] =	stream.linear.gather [hbm4b:s3+s2], $0x8000, $0x38;
	[tilespmem:$0x18000] =	vst v63  }
0x36: {  	_ = 	snop  }
0x37: {  	[tilespmem:s5], [sflag:$0x2] =	stream.linear.gather [hbm4b:s4+s2], $0x8000, $0x38;
	[tilespmem:$0x18000] =	vst v63  }
0x38: {  	_ = 	snop  }
0x39: {  	[tilespmem:s7], [sflag:$0x3] =	stream.linear.gather [hbm4b:s6+s2], $0x8000, $0x38;
	[tilespmem:$0x18000] =	vst v63  }
0x3a: {  	_ =	swait.ge [sflag:s8], $0x8000  }
0x3b: {  	[sflag:s8] =	ssyncset.done $0x0  }
0x3c: {  	[sflag:s8] =	ssyncadd.s32 $0xFFFF8000  }
0x3d: {  	[hbm4b:s9+s2] =	stream.linear.scatter [tilespmem:s2], [sflag:$0x4], $0x8000, $0x38;
	[tilespmem:$0x18000] =	vst v63  }
0x3e: {  	_ =	swait.ge [sflag:s10], $0x8000  }
0x3f: {  	[sflag:s10] =	ssyncset.done $0x0  }
0x40: {  	[sflag:s10] =	ssyncadd.s32 $0xFFFF8000  }
0x41: {  	[tilespmem:s2], [sflag:$0x1] =	stream.linear.gather [hbm4b:s11+s2], $0x8000, $0x38;
	[tilespmem:$0x18000] =	vst v63  }
0x42: {  	_ =	swait.ge [sflag:s12], $0x8000  }
0x43: {  	[sflag:s12] =	ssyncset.done $0x0  }
0x44: {  	[sflag:s12] =	ssyncadd.s32 $0xFFFF8000  }
0x45: {  	[hbm4b:s14+s2] =	stream.linear.scatter [tilespmem:s5], [sflag:$0x5], $0x8000, $0x38;
	[tilespmem:$0x18000] =	vst v63  }
0x46: {  	_ =	swait.ge [sflag:s13], $0x8000  }
0x47: {  	[sflag:s13] =	ssyncset.done $0x0  }
0x48: {  	[sflag:s13] =	ssyncadd.s32 $0xFFFF8000  }
0x49: {  	[tilespmem:s5], [sflag:$0x2] =	stream.linear.gather [hbm4b:s15+s2], $0x8000, $0x38;
	[tilespmem:$0x18000] =	vst v63  }
0x4a: {  	_ =	swait.ge [sflag:s16], $0x8000  }
0x4b: {  	[sflag:s16] =	ssyncset.done $0x0  }
0x4c: {  	[sflag:s16] =	ssyncadd.s32 $0xFFFF8000  }
0x4d: {  	[hbm4b:s17+s2] =	stream.linear.scatter [tilespmem:s7], [sflag:$0x6], $0x8000, $0x38;
	[tilespmem:$0x18000] =	vst v63  }
0x4e: {  	_ =	swait.ge [sflag:s8], $0x8000  }
0x4f: {  	[sflag:s8] =	ssyncset.done $0x0  }
0x50: {  	[sflag:s8] =	ssyncadd.s32 $0xFFFF8000  }
0x51: {  	[hbm4b:s18+s2] =	stream.linear.scatter [tilespmem:s2], [sflag:$0x4], $0x8000, $0x38;
	[tilespmem:$0x18000] =	vst v63  }
0x52: {  	_ =	swait.ge [sflag:s12], $0x8000  }
0x53: {  	[sflag:s12] =	ssyncset.done $0x0  }
0x54: {  	[sflag:s12] =	ssyncadd.s32 $0xFFFF8000  }
0x55: {  	[hbm4b:s19+s2] =	stream.linear.scatter [tilespmem:s5], [sflag:$0x5], $0x8000, $0x38;
	[tilespmem:$0x18000] =	vst v63  }
0x56: {  	_ =	swait.ge [sflag:s20], $0x8000  }
0x57: {  	[sflag:s20] =	ssyncset.done $0x0  }
0x58: {  	[sflag:s20] =	ssyncadd.s32 $0xFFFF8000  }
.Ltmp1:
0x59: {  	_ =	swait.ge [sflag:s10], $0x8000;
	(pc) =	sbr.rel @p0 .LBB2_1-.Ltmp1, $4  }
0x5a: {  	[sflag:s10] =	ssyncset.done $0x0  }
0x5b: {  	[sflag:s10] =	ssyncadd.s32 $0xFFFF8000  }
0x5c: {  	_ =	swait.ge [sflag:s13], $0x8000  }
0x5d: {  	[sflag:s13] =	ssyncset.done $0x0  }
.LBB2_2:
0x5e: {  	[sflag:s13] =	ssyncadd.s32 $0xFFFF8000  }
0x5f: {  	_ =	sfence.sel $0x180000  }
0x60: {  	[bflag:$0x0] =	sbarrier.arrive $0xFFFF  }
0x61: {  	p0 =	sne.s32 s0, $0x0;
	_ =	strace $0x90000047  }
0x62: {  	s0 =	sadd.s32 @!p0 $0x100000, s1;
	[bflag:$0x2] =	sbarrier.arrive $0xFFFF  }
0x63: {  	[sflag:s0] =	ssyncadd.tile.s32 @!p0 $0x1;
	_ =	shalt  }
.Lfunc_end2:
_tile_overlayer_lowered:
.L_overlay_start_2:
0x64: {  	(tag) =	ssettag $0x2  }
0x65: {  	s0 =	rddreg [dreg:$0x0];
	s2 =	stileid.u32  }
0x66: {  	s1 =	rddreg [dreg:$0x1];
	p0 =	sne.s32 s2, $0x0  }
0x67: {  	s3 =	rddreg [dreg:$0x2];
	[bflag:$0x3] =	sbarrier.arrive $0xFFFF;
	s2 =	simm.s32 @!p0 $0x1C07  }
0x68: {  	[timem:s3], [sflag:s2] =	dma.local @!p0 [hbm:s0], s1  }
0x69: {  	s0 =	simm.s32 @!p0 $0x7  }
0x6a: {  	_ =	swait.ge @!p0 [sflag:s0], s1  }
0x6b: {  	s1 =	ssub.s32 @!p0 $0x0, s1;
	[sflag:s0] =	ssyncset.done @!p0 $0x0  }
0x6c: {  	[sflag:s0] =	ssyncadd.s32 @!p0 s1  }
0x6d: {  	[bflag:$0x3] =	sbarrier.arrive $0xFFFF  }
0x6e: {  	_ =	shalt  }

</sc_bundles>
